<compile_context>
chip_gen: v7x
topology: tpu7x:2x2x1
jax: 0.10.2.dev20260603
libtpu: 0.0.44.dev20260713+nightly
codegen_flags: <defaults>
</compile_context>

<pallas_src>
import functools

import jax
import jax.numpy as jnp
from jax import lax
from jax.experimental import pallas as pl
from jax.experimental.pallas import tpu as pltpu
from jax.experimental.pallas import tpu_sc as plsc

NC = 2
NS = 16
LANES = 16
BLK = 128

def _rot_idx():
    i = lax.iota(jnp.int32, LANES)
    m = lax.rem(i, 3)
    return jnp.where(i < 12, jnp.where(m == 2, i - 2, i + 1), i)


def _rot(v, idx):
    dn = lax.GatherDimensionNumbers(
        offset_dims=(), collapsed_slice_dims=(0,), start_index_map=(0,))
    return lax.gather(v, idx[:, None], dn, (1,),
                      mode=lax.GatherScatterMode.PROMISE_IN_BOUNDS)


def _sc_accumulate(verts16, idx3, v_pad, blocks_per_worker, f_pad):
    rows_per_sub = v_pad // NS
    zchunks = rows_per_sub // BLK
    mesh = plsc.VectorSubcoreMesh(core_axis_name="c", subcore_axis_name="s")

    @functools.partial(
        pl.kernel,
        out_type=jax.ShapeDtypeStruct((NC, v_pad, LANES), jnp.float32),
        mesh=mesh,
        compiler_params=pltpu.CompilerParams(use_tc_tiling_on_sc=False),
        scratch_types=[
            pltpu.VMEM_SHARED((v_pad, LANES), jnp.float32),
            pltpu.VMEM((3, BLK), jnp.int32),
            pltpu.VMEM((BLK, LANES), jnp.float32),
            pltpu.VMEM((BLK, LANES), jnp.float32),
            pltpu.VMEM((BLK, LANES), jnp.float32),
            pltpu.VMEM((BLK, LANES), jnp.float32),
        ],
    )
    def k(verts_hbm, idx_hbm, out_hbm, acc, idxv, v0b, v1b, v2b, nb):
        c = lax.axis_index("c")
        s = lax.axis_index("s")
        rot = _rot_idx()

        @pl.loop(0, BLK)
        def _(r):
            nb[r] = jnp.zeros((LANES,), jnp.float32)

        base_rows = s * rows_per_sub

        @pl.loop(0, zchunks)
        def _(z):
            pltpu.sync_copy(nb, acc.at[pl.ds(base_rows + z * BLK, BLK)])

        plsc.subcore_barrier()

        wid = c * NS + s

        @pl.loop(0, blocks_per_worker)
        def _(j):
            fbase = (wid * blocks_per_worker + j) * BLK
            pltpu.sync_copy(idx_hbm.at[pl.ds(fbase, BLK)], idxv.at[0])
            pltpu.sync_copy(idx_hbm.at[pl.ds(f_pad + fbase, BLK)], idxv.at[1])
            pltpu.sync_copy(idx_hbm.at[pl.ds(2 * f_pad + fbase, BLK)], idxv.at[2])
            pltpu.sync_copy(verts_hbm.at[idxv.at[0]], v0b)
            pltpu.sync_copy(verts_hbm.at[idxv.at[1]], v1b)
            pltpu.sync_copy(verts_hbm.at[idxv.at[2]], v2b)

            @pl.loop(0, BLK)
            def _(r):
                v0 = v0b[r]
                v1 = v1b[r]
                v2 = v2b[r]
                a = v1 - v0
                b = v2 - v0
                nb[r] = a * _rot(b, rot) - _rot(a, rot) * b

            pltpu.sync_copy(nb, acc.at[idxv.at[0]], add=True)
            pltpu.sync_copy(nb, acc.at[idxv.at[1]], add=True)
            pltpu.sync_copy(nb, acc.at[idxv.at[2]], add=True)

        plsc.subcore_barrier()
        pltpu.sync_copy(acc.at[pl.ds(base_rows, rows_per_sub)],
                        out_hbm.at[c, pl.ds(base_rows, rows_per_sub)])

    return k(verts16, idx3)


def _tc_finalize(pt, v_pad):
    cb = 1024

    def body(p_ref, o_ref):
        n = p_ref[0] + p_ref[1]
        fi = lax.broadcasted_iota(jnp.int32, (3, cb), 0)
        fallback = jnp.where(fi == 0, 1.0, 0.0).astype(jnp.float32)
        for t in range(4):
            nt = n[3 * t:3 * t + 3, :]
            d = jnp.sum(nt * nt, axis=0, keepdims=True)
            m = d > 1e-20
            nv = jnp.where(m, nt, fallback)
            dv = jnp.where(m, d, 1.0)
            o_ref[3 * t:3 * t + 3, :] = nv * lax.rsqrt(jnp.maximum(dv, 1e-20))
        o_ref[12:16, :] = jnp.zeros((4, cb), jnp.float32)

    return pl.pallas_call(
        body,
        grid=(v_pad // cb,),
        in_specs=[pl.BlockSpec((NC, 16, cb), lambda i: (0, 0, i))],
        out_specs=pl.BlockSpec((16, cb), lambda i: (0, i)),
        out_shape=jax.ShapeDtypeStruct((16, v_pad), jnp.float32),
    )(pt)


def kernel(verts, faces):
    nb_batch, nv, _ = verts.shape
    nf = faces.shape[0]
    assert nb_batch == 4

    workers = NC * NS
    blocks_per_worker = -(-nf // (workers * BLK))
    f_pad = workers * blocks_per_worker * BLK
    rows_per_sub = -(-(nv + 1) // (NS * BLK)) * BLK
    v_pad = NS * rows_per_sub

    verts = verts.astype(jnp.float32)
    v16 = jnp.zeros((v_pad, LANES), jnp.float32)
    v16 = v16.at[:nv, :12].set(verts.transpose(1, 0, 2).reshape(nv, 12))
    idx3 = jnp.pad(faces.astype(jnp.int32).T, ((0, 0), (0, f_pad - nf)),
                   constant_values=nv).reshape(-1)

    partial_acc = _sc_accumulate(v16, idx3, v_pad, blocks_per_worker, f_pad)
    out16 = _tc_finalize(partial_acc.transpose(0, 2, 1), v_pad)

    perm = jnp.array([1, 2, 0, 4, 5, 3, 7, 8, 6, 10, 11, 9], dtype=jnp.int32)
    comp = out16[perm, :nv]
    return comp.reshape(4, 3, nv).transpose(0, 2, 1)

# --- scband reference (transcript-rebuilt; emitter-appended) ---
"""Pipeline reference for scband-nvdiff-renderer-77060303225529 (READ-ONLY COPY).

The authoritative reference and input builder live on the scoring server;
editing this copy changes nothing except your own understanding.
"""

import jax, jax.numpy as jnp
import numpy as np


def _safe_normalize(x, eps=1e-20):
    d = jnp.sum(x * x, axis=-1, keepdims=True)
    return x * jax.lax.rsqrt(jnp.maximum(d, eps))


def setup_inputs(seed: int = 0) -> dict:
    key = jax.random.key(seed)
    k1, k2 = jax.random.split(key)
    verts = jax.random.normal(k1, (4, 100000, 3), dtype=jnp.float32)
    faces = jax.random.randint(k2, (1600000, 3), 0, 100000).astype(jnp.int64)
    return {"verts": verts, "faces": faces}


def reference(verts, faces):
    # Faithful JAX translation of NVDiffRenderer.compute_v_normals
    i0 = faces[:, 0]
    i1 = faces[:, 1]
    i2 = faces[:, 2]
    # gather vertex positions per face (batched over leading dim)
    v0 = verts[:, i0, :]
    v1 = verts[:, i1, :]
    v2 = verts[:, i2, :]
    face_normals = jnp.cross(v1 - v0, v2 - v0)
    # scatter-add face normals onto incident vertices
    v_normals = jnp.zeros_like(verts)
    v_normals = v_normals.at[:, i0, :].add(face_normals)
    v_normals = v_normals.at[:, i1, :].add(face_normals)
    v_normals = v_normals.at[:, i2, :].add(face_normals)
    d = jnp.sum(v_normals * v_normals, axis=-1, keepdims=True)
    fallback = jnp.array([0.0, 0.0, 1.0], dtype=jnp.float32)
    v_normals = jnp.where(d > 1e-20, v_normals, fallback)
    v_normals = _safe_normalize(v_normals)
    return v_normals

if __name__ == "__main__":
    import jax
    _d = setup_inputs()
    print(jax.jit(kernel)(*tuple(_d.values())))

</pallas_src>

<mosaic_0001>
#map = affine_map<(d0, d1) -> (0, 0)>
#map1 = affine_map<(d0, d1) -> (0)>
#map2 = affine_map<(d0, d1) -> (0, 0, 0)>
module attributes {stable_mosaic.version = 14 : i64} {
  func.func @k(%arg0: i32, %arg1: i32, %arg2: memref<100352x16xf32, #tpu.memory_space<hbm>>, %arg3: memref<4804608xi32, #tpu.memory_space<hbm>>, %arg4: memref<2x100352x16xf32, #tpu.memory_space<hbm>>, %arg5: memref<100352x16xf32, #tpu.memory_space<vmem_shared>>, %arg6: memref<3x128xi32, #tpu.memory_space<vmem>>, %arg7: memref<128x16xf32, #tpu.memory_space<vmem>>, %arg8: memref<128x16xf32, #tpu.memory_space<vmem>>, %arg9: memref<128x16xf32, #tpu.memory_space<vmem>>, %arg10: memref<128x16xf32, #tpu.memory_space<vmem>>) attributes {dimension_semantics = [#tpu.dimension_semantics<core_parallel>, #tpu.dimension_semantics<subcore_parallel>], iteration_bounds = array<i64: 2, 16>, scalar_prefetch = 0 : i64, scratch_operands = 6 : i64, tpu.core_type = #tpu.core_type<sc_vector_subcore>, window_params = [{transform_indices = #map}, {transform_indices = #map1}, {transform_indices = #map2}]} {
    %iota3A = tpu.iota {dimensions = array<i32: 0>} : vector<16xi32>
    %rem3A = arith.constant 3 : i32
    %rem3A_0 = vector.broadcast %rem3A : i32 to vector<16xi32>
    %rem3A_1 = arith.remsi %iota3A, %rem3A_0 : vector<16xi32>
    %lt3A = arith.constant 12 : i32
    %lt3A_2 = vector.broadcast %lt3A : i32 to vector<16xi32>
    %lt3A_3 = arith.cmpi slt, %iota3A, %lt3A_2 : vector<16xi32>
    %eq3A = arith.constant 2 : i32
    %eq3A_4 = vector.broadcast %eq3A : i32 to vector<16xi32>
    %eq3A_5 = arith.cmpi eq, %rem3A_1, %eq3A_4 : vector<16xi32>
    %sub3A = arith.constant 2 : i32
    %sub3A_6 = vector.broadcast %sub3A : i32 to vector<16xi32>
    %sub3A_7 = arith.subi %iota3A, %sub3A_6 : vector<16xi32>
    %add3A = arith.constant 1 : i32
    %add3A_8 = vector.broadcast %add3A : i32 to vector<16xi32>
    %add3A_9 = arith.addi %iota3A, %add3A_8 : vector<16xi32>
    %select_n3A = arith.select %eq3A_5, %sub3A_7, %add3A_9 : vector<16xi1>, vector<16xi32>
    %select_n3A_10 = arith.select %lt3A_3, %select_n3A, %iota3A : vector<16xi1>, vector<16xi32>
    %scan3A = arith.constant 0 : i32
    %scan3A_11 = arith.constant 128 : i32
    %scan3A_12 = arith.addi %scan3A, %scan3A_11 : i32
    %scan3A_13 = arith.constant 1 : i32
    scf.for %scan3A_30 = %scan3A to %scan3A_12 step %scan3A_13  : i32 {
      %mul3A_31 = arith.constant 1 : i32
      %mul3A_32 = arith.muli %scan3A_30, %mul3A_31 : i32
      %add3A_33 = arith.constant 0 : i32
      %add3A_34 = arith.addi %add3A_33, %mul3A_32 : i32
      %broadcast_in_dim3A = arith.constant 0.000000e+00 : f32
      %broadcast_in_dim3A_35 = vector.broadcast %broadcast_in_dim3A : f32 to vector<16xf32>
      %swap3A = arith.index_cast %add3A_34 : i32 to index
      %swap3A_36 = arith.constant 0 : index
      %swap3A_37 = tpu.vector_load %arg10[%swap3A, %swap3A_36] {strides = array<i32>} : memref<128x16xf32, #tpu.memory_space<vmem>>, vector<1x16xf32>,
      %swap3A_38 = vector.shape_cast %swap3A_37 : vector<1x16xf32> to vector<16xf32>
      %swap3A_39 = vector.shape_cast %broadcast_in_dim3A_35 : vector<16xf32> to vector<1x16xf32>
      tpu.vector_store %arg10[%swap3A, %swap3A_36], %swap3A_39 {strides = array<i32>} : memref<128x16xf32, #tpu.memory_space<vmem>>, vector<1x16xf32>,
    }
    %scan3A_14 = arith.constant 128 : i32
    %mul3A = arith.constant 6272 : i32
    %mul3A_15 = arith.muli %arg1, %mul3A : i32
    %scan3A_16 = arith.constant 0 : i32
    %scan3A_17 = arith.constant 49 : i32
    %scan3A_18 = arith.addi %scan3A_16, %scan3A_17 : i32
    %scan3A_19 = arith.constant 1 : i32
    scf.for %scan3A_30 = %scan3A_16 to %scan3A_18 step %scan3A_19  : i32 {
      %mul3A_31 = arith.constant 1 : i32
      %mul3A_32 = arith.muli %scan3A_30, %mul3A_31 : i32
      %add3A_33 = arith.constant 0 : i32
      %add3A_34 = arith.addi %add3A_33, %mul3A_32 : i32
      %mul3A_35 = arith.constant 128 : i32
      %mul3A_36 = arith.muli %add3A_34, %mul3A_35 : i32
      %add3A_37 = arith.addi %mul3A_15, %mul3A_36 : i32
      "tpu.region"() ({
        %run_scoped3A = tpu.sem_alloc : memref<!tpu.dma_semaphore, #tpu.memory_space<semaphore_mem>>
        %dma_start3A = arith.constant 0 : i32
        %dma_start3A_38 = tpu.memref_slice %arg5[%add3A_37, %dma_start3A] : memref<100352x16xf32, #tpu.memory_space<vmem_shared>> -> memref<128x16xf32, #tpu.memory_space<vmem_shared>>
        %dma_start3A_39 = arith.constant 0 : i32
        %dma_start3A_40 = tpu.memref_slice %arg5[%add3A_37, %dma_start3A_39] : memref<100352x16xf32, #tpu.memory_space<vmem_shared>> -> memref<128x16xf32, #tpu.memory_space<vmem_shared>>
        tpu.enqueue_dma source(%arg10 : memref<128x16xf32, #tpu.memory_space<vmem>>) target(%dma_start3A_40 : memref<128x16xf32, #tpu.memory_space<vmem_shared>>) target_semaphore(%run_scoped3A : memref<!tpu.dma_semaphore, #tpu.memory_space<semaphore_mem>>)
        %dma_wait3A = arith.constant 0 : i32
        %dma_wait3A_41 = tpu.memref_slice %arg5[%add3A_37, %dma_wait3A] : memref<100352x16xf32, #tpu.memory_space<vmem_shared>> -> memref<128x16xf32, #tpu.memory_space<vmem_shared>>
        %dma_wait3A_42 = arith.constant 0 : i32
        %dma_wait3A_43 = tpu.memref_slice %arg5[%add3A_37, %dma_wait3A_42] : memref<100352x16xf32, #tpu.memory_space<vmem_shared>> -> memref<128x16xf32, #tpu.memory_space<vmem_shared>>
        tpu.wait_dma2 semaphore(%run_scoped3A : memref<!tpu.dma_semaphore, #tpu.memory_space<semaphore_mem>>) src(%arg10 : memref<128x16xf32, #tpu.memory_space<vmem>>) dst(%dma_wait3A_43 : memref<128x16xf32, #tpu.memory_space<vmem_shared>>)
        tpu.yield
      }) : () -> ()
    }
    %scan3A_20 = arith.constant 49 : i32
    %barrier3A = arith.constant 0 : index
    tpu.barrier barrier_id(%barrier3A)
    %mul3A_21 = arith.constant 16 : i32
    %mul3A_22 = arith.muli %arg0, %mul3A_21 : i32
    %add3A_23 = arith.addi %mul3A_22, %arg1 : i32
    %scan3A_24 = arith.constant 0 : i32
    %scan3A_25 = arith.constant 391 : i32
    %scan3A_26 = arith.addi %scan3A_24, %scan3A_25 : i32
    %scan3A_27 = arith.constant 1 : i32
    scf.for %scan3A_30 = %scan3A_24 to %scan3A_26 step %scan3A_27  : i32 {
      %mul3A_31 = arith.constant 1 : i32
      %mul3A_32 = arith.muli %scan3A_30, %mul3A_31 : i32
      %add3A_33 = arith.constant 0 : i32
      %add3A_34 = arith.addi %add3A_33, %mul3A_32 : i32
      %mul3A_35 = arith.constant 391 : i32
      %mul3A_36 = arith.muli %add3A_23, %mul3A_35 : i32
      %add3A_37 = arith.addi %mul3A_36, %add3A_34 : i32
      %mul3A_38 = arith.constant 128 : i32
      %mul3A_39 = arith.muli %add3A_37, %mul3A_38 : i32
      %run_scoped3A = arith.constant 0 : i32
      "tpu.region"() ({
        %run_scoped3A_57 = tpu.sem_alloc : memref<!tpu.dma_semaphore, #tpu.memory_space<semaphore_mem>>
        %dma_start3A = arith.constant 0 : i32
        %dma_start3A_58 = tpu.memref_slice %arg6[%run_scoped3A, %dma_start3A] : memref<3x128xi32, #tpu.memory_space<vmem>> -> memref<1x128xi32, #tpu.memory_space<vmem>>
        %dma_start3A_59 = tpu.memref_squeeze %dma_start3A_58 : memref<1x128xi32, #tpu.memory_space<vmem>> -> memref<128xi32, #tpu.memory_space<vmem>>
        %dma_start3A_60 = tpu.memref_slice %arg3[%mul3A_39] : memref<4804608xi32, #tpu.memory_space<hbm>> -> memref<128xi32, #tpu.memory_space<hbm>>
        %dma_start3A_61 = arith.constant 0 : i32
        %dma_start3A_62 = tpu.memref_slice %arg6[%run_scoped3A, %dma_start3A_61] : memref<3x128xi32, #tpu.memory_space<vmem>> -> memref<1x128xi32, #tpu.memory_space<vmem>>
        %dma_start3A_63 = tpu.memref_squeeze %dma_start3A_62 : memref<1x128xi32, #tpu.memory_space<vmem>> -> memref<128xi32, #tpu.memory_space<vmem>>
        %dma_start3A_64 = tpu.memref_slice %arg3[%mul3A_39] : memref<4804608xi32, #tpu.memory_space<hbm>> -> memref<128xi32, #tpu.memory_space<hbm>>
        tpu.enqueue_dma source(%dma_start3A_64 : memref<128xi32, #tpu.memory_space<hbm>>) target(%dma_start3A_63 : memref<128xi32, #tpu.memory_space<vmem>>) target_semaphore(%run_scoped3A_57 : memref<!tpu.dma_semaphore, #tpu.memory_space<semaphore_mem>>)
        %dma_wait3A = arith.constant 0 : i32
        %dma_wait3A_65 = tpu.memref_slice %arg6[%run_scoped3A, %dma_wait3A] : memref<3x128xi32, #tpu.memory_space<vmem>> -> memref<1x128xi32, #tpu.memory_space<vmem>>
        %dma_wait3A_66 = tpu.memref_squeeze %dma_wait3A_65 : memref<1x128xi32, #tpu.memory_space<vmem>> -> memref<128xi32, #tpu.memory_space<vmem>>
        %dma_wait3A_67 = tpu.memref_slice %arg3[%mul3A_39] : memref<4804608xi32, #tpu.memory_space<hbm>> -> memref<128xi32, #tpu.memory_space<hbm>>
        %dma_wait3A_68 = arith.constant 0 : i32
        %dma_wait3A_69 = tpu.memref_slice %arg6[%run_scoped3A, %dma_wait3A_68] : memref<3x128xi32, #tpu.memory_space<vmem>> -> memref<1x128xi32, #tpu.memory_space<vmem>>
        %dma_wait3A_70 = tpu.memref_squeeze %dma_wait3A_69 : memref<1x128xi32, #tpu.memory_space<vmem>> -> memref<128xi32, #tpu.memory_space<vmem>>
        %dma_wait3A_71 = tpu.memref_slice %arg3[%mul3A_39] : memref<4804608xi32, #tpu.memory_space<hbm>> -> memref<128xi32, #tpu.memory_space<hbm>>
        tpu.wait_dma2 semaphore(%run_scoped3A_57 : memref<!tpu.dma_semaphore, #tpu.memory_space<semaphore_mem>>) src(%dma_wait3A_71 : memref<128xi32, #tpu.memory_space<hbm>>) dst(%dma_wait3A_70 : memref<128xi32, #tpu.memory_space<vmem>>)
        tpu.yield
      }) : () -> ()
      %add3A_40 = arith.constant 1601536 : i32
      %add3A_41 = arith.addi %add3A_40, %mul3A_39 : i32
      %run_scoped3A_42 = arith.constant 1 : i32
      "tpu.region"() ({
        %run_scoped3A_57 = tpu.sem_alloc : memref<!tpu.dma_semaphore, #tpu.memory_space<semaphore_mem>>
        %dma_start3A = arith.constant 0 : i32
        %dma_start3A_58 = tpu.memref_slice %arg6[%run_scoped3A_42, %dma_start3A] : memref<3x128xi32, #tpu.memory_space<vmem>> -> memref<1x128xi32, #tpu.memory_space<vmem>>
        %dma_start3A_59 = tpu.memref_squeeze %dma_start3A_58 : memref<1x128xi32, #tpu.memory_space<vmem>> -> memref<128xi32, #tpu.memory_space<vmem>>
        %dma_start3A_60 = tpu.memref_slice %arg3[%add3A_41] : memref<4804608xi32, #tpu.memory_space<hbm>> -> memref<128xi32, #tpu.memory_space<hbm>>
        %dma_start3A_61 = arith.constant 0 : i32
        %dma_start3A_62 = tpu.memref_slice %arg6[%run_scoped3A_42, %dma_start3A_61] : memref<3x128xi32, #tpu.memory_space<vmem>> -> memref<1x128xi32, #tpu.memory_space<vmem>>
        %dma_start3A_63 = tpu.memref_squeeze %dma_start3A_62 : memref<1x128xi32, #tpu.memory_space<vmem>> -> memref<128xi32, #tpu.memory_space<vmem>>
        %dma_start3A_64 = tpu.memref_slice %arg3[%add3A_41] : memref<4804608xi32, #tpu.memory_space<hbm>> -> memref<128xi32, #tpu.memory_space<hbm>>
        tpu.enqueue_dma source(%dma_start3A_64 : memref<128xi32, #tpu.memory_space<hbm>>) target(%dma_start3A_63 : memref<128xi32, #tpu.memory_space<vmem>>) target_semaphore(%run_scoped3A_57 : memref<!tpu.dma_semaphore, #tpu.memory_space<semaphore_mem>>)
        %dma_wait3A = arith.constant 0 : i32
        %dma_wait3A_65 = tpu.memref_slice %arg6[%run_scoped3A_42, %dma_wait3A] : memref<3x128xi32, #tpu.memory_space<vmem>> -> memref<1x128xi32, #tpu.memory_space<vmem>>
        %dma_wait3A_66 = tpu.memref_squeeze %dma_wait3A_65 : memref<1x128xi32, #tpu.memory_space<vmem>> -> memref<128xi32, #tpu.memory_space<vmem>>
        %dma_wait3A_67 = tpu.memref_slice %arg3[%add3A_41] : memref<4804608xi32, #tpu.memory_space<hbm>> -> memref<128xi32, #tpu.memory_space<hbm>>
        %dma_wait3A_68 = arith.constant 0 : i32
        %dma_wait3A_69 = tpu.memref_slice %arg6[%run_scoped3A_42, %dma_wait3A_68] : memref<3x128xi32, #tpu.memory_space<vmem>> -> memref<1x128xi32, #tpu.memory_space<vmem>>
        %dma_wait3A_70 = tpu.memref_squeeze %dma_wait3A_69 : memref<1x128xi32, #tpu.memory_space<vmem>> -> memref<128xi32, #tpu.memory_space<vmem>>
        %dma_wait3A_71 = tpu.memref_slice %arg3[%add3A_41] : memref<4804608xi32, #tpu.memory_space<hbm>> -> memref<128xi32, #tpu.memory_space<hbm>>
        tpu.wait_dma2 semaphore(%run_scoped3A_57 : memref<!tpu.dma_semaphore, #tpu.memory_space<semaphore_mem>>) src(%dma_wait3A_71 : memref<128xi32, #tpu.memory_space<hbm>>) dst(%dma_wait3A_70 : memref<128xi32, #tpu.memory_space<vmem>>)
        tpu.yield
      }) : () -> ()
      %add3A_43 = arith.constant 3203072 : i32
      %add3A_44 = arith.addi %add3A_43, %mul3A_39 : i32
      %run_scoped3A_45 = arith.constant 2 : i32
      "tpu.region"() ({
        %run_scoped3A_57 = tpu.sem_alloc : memref<!tpu.dma_semaphore, #tpu.memory_space<semaphore_mem>>
        %dma_start3A = arith.constant 0 : i32
        %dma_start3A_58 = tpu.memref_slice %arg6[%run_scoped3A_45, %dma_start3A] : memref<3x128xi32, #tpu.memory_space<vmem>> -> memref<1x128xi32, #tpu.memory_space<vmem>>
        %dma_start3A_59 = tpu.memref_squeeze %dma_start3A_58 : memref<1x128xi32, #tpu.memory_space<vmem>> -> memref<128xi32, #tpu.memory_space<vmem>>
        %dma_start3A_60 = tpu.memref_slice %arg3[%add3A_44] : memref<4804608xi32, #tpu.memory_space<hbm>> -> memref<128xi32, #tpu.memory_space<hbm>>
        %dma_start3A_61 = arith.constant 0 : i32
        %dma_start3A_62 = tpu.memref_slice %arg6[%run_scoped3A_45, %dma_start3A_61] : memref<3x128xi32, #tpu.memory_space<vmem>> -> memref<1x128xi32, #tpu.memory_space<vmem>>
        %dma_start3A_63 = tpu.memref_squeeze %dma_start3A_62 : memref<1x128xi32, #tpu.memory_space<vmem>> -> memref<128xi32, #tpu.memory_space<vmem>>
        %dma_start3A_64 = tpu.memref_slice %arg3[%add3A_44] : memref<4804608xi32, #tpu.memory_space<hbm>> -> memref<128xi32, #tpu.memory_space<hbm>>
        tpu.enqueue_dma source(%dma_start3A_64 : memref<128xi32, #tpu.memory_space<hbm>>) target(%dma_start3A_63 : memref<128xi32, #tpu.memory_space<vmem>>) target_semaphore(%run_scoped3A_57 : memref<!tpu.dma_semaphore, #tpu.memory_space<semaphore_mem>>)
        %dma_wait3A = arith.constant 0 : i32
        %dma_wait3A_65 = tpu.memref_slice %arg6[%run_scoped3A_45, %dma_wait3A] : memref<3x128xi32, #tpu.memory_space<vmem>> -> memref<1x128xi32, #tpu.memory_space<vmem>>
        %dma_wait3A_66 = tpu.memref_squeeze %dma_wait3A_65 : memref<1x128xi32, #tpu.memory_space<vmem>> -> memref<128xi32, #tpu.memory_space<vmem>>
        %dma_wait3A_67 = tpu.memref_slice %arg3[%add3A_44] : memref<4804608xi32, #tpu.memory_space<hbm>> -> memref<128xi32, #tpu.memory_space<hbm>>
        %dma_wait3A_68 = arith.constant 0 : i32
        %dma_wait3A_69 = tpu.memref_slice %arg6[%run_scoped3A_45, %dma_wait3A_68] : memref<3x128xi32, #tpu.memory_space<vmem>> -> memref<1x128xi32, #tpu.memory_space<vmem>>
        %dma_wait3A_70 = tpu.memref_squeeze %dma_wait3A_69 : memref<1x128xi32, #tpu.memory_space<vmem>> -> memref<128xi32, #tpu.memory_space<vmem>>
        %dma_wait3A_71 = tpu.memref_slice %arg3[%add3A_44] : memref<4804608xi32, #tpu.memory_space<hbm>> -> memref<128xi32, #tpu.memory_space<hbm>>
        tpu.wait_dma2 semaphore(%run_scoped3A_57 : memref<!tpu.dma_semaphore, #tpu.memory_space<semaphore_mem>>) src(%dma_wait3A_71 : memref<128xi32, #tpu.memory_space<hbm>>) dst(%dma_wait3A_70 : memref<128xi32, #tpu.memory_space<vmem>>)
        tpu.yield
      }) : () -> ()
      %run_scoped3A_46 = arith.constant 0 : i32
      "tpu.region"() ({
        %run_scoped3A_57 = tpu.sem_alloc : memref<!tpu.dma_semaphore, #tpu.memory_space<semaphore_mem>>
        %dma_start3A = arith.constant 0 : i32
        %dma_start3A_58 = tpu.memref_slice %arg6[%run_scoped3A_46, %dma_start3A] : memref<3x128xi32, #tpu.memory_space<vmem>> -> memref<1x128xi32, #tpu.memory_space<vmem>>
        %dma_start3A_59 = tpu.memref_squeeze %dma_start3A_58 : memref<1x128xi32, #tpu.memory_space<vmem>> -> memref<128xi32, #tpu.memory_space<vmem>>
        %dma_start3A_60 = arith.constant 0 : i32
        %dma_start3A_61 = arith.constant 0 : i32
        %dma_start3A_62 = tpu.memref_slice %arg2[%dma_start3A_60, %dma_start3A_61] : memref<100352x16xf32, #tpu.memory_space<hbm>> -> memref<100352x16xf32, #tpu.memory_space<hbm>>
        tpu.enqueue_indirect_dma source(%dma_start3A_62 : memref<100352x16xf32, #tpu.memory_space<hbm>>) target(%arg7 : memref<128x16xf32, #tpu.memory_space<vmem>>) offsets(%dma_start3A_59 : memref<128xi32, #tpu.memory_space<vmem>>) semaphore(%run_scoped3A_57 : memref<!tpu.dma_semaphore, #tpu.memory_space<semaphore_mem>>)
        %dma_wait3A = arith.constant 0 : i32
        %dma_wait3A_63 = tpu.memref_slice %arg6[%run_scoped3A_46, %dma_wait3A] : memref<3x128xi32, #tpu.memory_space<vmem>> -> memref<1x128xi32, #tpu.memory_space<vmem>>
        %dma_wait3A_64 = tpu.memref_squeeze %dma_wait3A_63 : memref<1x128xi32, #tpu.memory_space<vmem>> -> memref<128xi32, #tpu.memory_space<vmem>>
        %dma_wait3A_65 = arith.constant 0 : i32
        %dma_wait3A_66 = arith.constant 0 : i32
        %dma_wait3A_67 = tpu.memref_slice %arg2[%dma_wait3A_65, %dma_wait3A_66] : memref<100352x16xf32, #tpu.memory_space<hbm>> -> memref<100352x16xf32, #tpu.memory_space<hbm>>
        tpu.wait_indirect_dma semaphore(%run_scoped3A_57 : memref<!tpu.dma_semaphore, #tpu.memory_space<semaphore_mem>>) src(%dma_wait3A_67 : memref<100352x16xf32, #tpu.memory_space<hbm>>) dst(%arg7 : memref<128x16xf32, #tpu.memory_space<vmem>>)
        tpu.yield
      }) : () -> ()
      %run_scoped3A_47 = arith.constant 1 : i32
      "tpu.region"() ({
        %run_scoped3A_57 = tpu.sem_alloc : memref<!tpu.dma_semaphore, #tpu.memory_space<semaphore_mem>>
        %dma_start3A = arith.constant 0 : i32
        %dma_start3A_58 = tpu.memref_slice %arg6[%run_scoped3A_47, %dma_start3A] : memref<3x128xi32, #tpu.memory_space<vmem>> -> memref<1x128xi32, #tpu.memory_space<vmem>>
        %dma_start3A_59 = tpu.memref_squeeze %dma_start3A_58 : memref<1x128xi32, #tpu.memory_space<vmem>> -> memref<128xi32, #tpu.memory_space<vmem>>
        %dma_start3A_60 = arith.constant 0 : i32
        %dma_start3A_61 = arith.constant 0 : i32
        %dma_start3A_62 = tpu.memref_slice %arg2[%dma_start3A_60, %dma_start3A_61] : memref<100352x16xf32, #tpu.memory_space<hbm>> -> memref<100352x16xf32, #tpu.memory_space<hbm>>
        tpu.enqueue_indirect_dma source(%dma_start3A_62 : memref<100352x16xf32, #tpu.memory_space<hbm>>) target(%arg8 : memref<128x16xf32, #tpu.memory_space<vmem>>) offsets(%dma_start3A_59 : memref<128xi32, #tpu.memory_space<vmem>>) semaphore(%run_scoped3A_57 : memref<!tpu.dma_semaphore, #tpu.memory_space<semaphore_mem>>)
        %dma_wait3A = arith.constant 0 : i32
        %dma_wait3A_63 = tpu.memref_slice %arg6[%run_scoped3A_47, %dma_wait3A] : memref<3x128xi32, #tpu.memory_space<vmem>> -> memref<1x128xi32, #tpu.memory_space<vmem>>
        %dma_wait3A_64 = tpu.memref_squeeze %dma_wait3A_63 : memref<1x128xi32, #tpu.memory_space<vmem>> -> memref<128xi32, #tpu.memory_space<vmem>>
        %dma_wait3A_65 = arith.constant 0 : i32
        %dma_wait3A_66 = arith.constant 0 : i32
        %dma_wait3A_67 = tpu.memref_slice %arg2[%dma_wait3A_65, %dma_wait3A_66] : memref<100352x16xf32, #tpu.memory_space<hbm>> -> memref<100352x16xf32, #tpu.memory_space<hbm>>
        tpu.wait_indirect_dma semaphore(%run_scoped3A_57 : memref<!tpu.dma_semaphore, #tpu.memory_space<semaphore_mem>>) src(%dma_wait3A_67 : memref<100352x16xf32, #tpu.memory_space<hbm>>) dst(%arg8 : memref<128x16xf32, #tpu.memory_space<vmem>>)
        tpu.yield
      }) : () -> ()
      %run_scoped3A_48 = arith.constant 2 : i32
      "tpu.region"() ({
        %run_scoped3A_57 = tpu.sem_alloc : memref<!tpu.dma_semaphore, #tpu.memory_space<semaphore_mem>>
        %dma_start3A = arith.constant 0 : i32
        %dma_start3A_58 = tpu.memref_slice %arg6[%run_scoped3A_48, %dma_start3A] : memref<3x128xi32, #tpu.memory_space<vmem>> -> memref<1x128xi32, #tpu.memory_space<vmem>>
        %dma_start3A_59 = tpu.memref_squeeze %dma_start3A_58 : memref<1x128xi32, #tpu.memory_space<vmem>> -> memref<128xi32, #tpu.memory_space<vmem>>
        %dma_start3A_60 = arith.constant 0 : i32
        %dma_start3A_61 = arith.constant 0 : i32
        %dma_start3A_62 = tpu.memref_slice %arg2[%dma_start3A_60, %dma_start3A_61] : memref<100352x16xf32, #tpu.memory_space<hbm>> -> memref<100352x16xf32, #tpu.memory_space<hbm>>
        tpu.enqueue_indirect_dma source(%dma_start3A_62 : memref<100352x16xf32, #tpu.memory_space<hbm>>) target(%arg9 : memref<128x16xf32, #tpu.memory_space<vmem>>) offsets(%dma_start3A_59 : memref<128xi32, #tpu.memory_space<vmem>>) semaphore(%run_scoped3A_57 : memref<!tpu.dma_semaphore, #tpu.memory_space<semaphore_mem>>)
        %dma_wait3A = arith.constant 0 : i32
        %dma_wait3A_63 = tpu.memref_slice %arg6[%run_scoped3A_48, %dma_wait3A] : memref<3x128xi32, #tpu.memory_space<vmem>> -> memref<1x128xi32, #tpu.memory_space<vmem>>
        %dma_wait3A_64 = tpu.memref_squeeze %dma_wait3A_63 : memref<1x128xi32, #tpu.memory_space<vmem>> -> memref<128xi32, #tpu.memory_space<vmem>>
        %dma_wait3A_65 = arith.constant 0 : i32
        %dma_wait3A_66 = arith.constant 0 : i32
        %dma_wait3A_67 = tpu.memref_slice %arg2[%dma_wait3A_65, %dma_wait3A_66] : memref<100352x16xf32, #tpu.memory_space<hbm>> -> memref<100352x16xf32, #tpu.memory_space<hbm>>
        tpu.wait_indirect_dma semaphore(%run_scoped3A_57 : memref<!tpu.dma_semaphore, #tpu.memory_space<semaphore_mem>>) src(%dma_wait3A_67 : memref<100352x16xf32, #tpu.memory_space<hbm>>) dst(%arg9 : memref<128x16xf32, #tpu.memory_space<vmem>>)
        tpu.yield
      }) : () -> ()
      %scan3A_49 = arith.constant 0 : i32
      %scan3A_50 = arith.constant 128 : i32
      %scan3A_51 = arith.addi %scan3A_49, %scan3A_50 : i32
      %scan3A_52 = arith.constant 1 : i32
      scf.for %scan3A_57 = %scan3A_49 to %scan3A_51 step %scan3A_52  : i32 {
        %mul3A_58 = arith.constant 1 : i32
        %mul3A_59 = arith.muli %scan3A_57, %mul3A_58 : i32
        %add3A_60 = arith.constant 0 : i32
        %add3A_61 = arith.addi %add3A_60, %mul3A_59 : i32
        %get3A = arith.index_cast %add3A_61 : i32 to index
        %get3A_62 = arith.constant 0 : index
        %get3A_63 = tpu.vector_load %arg7[%get3A, %get3A_62] {strides = array<i32>} : memref<128x16xf32, #tpu.memory_space<vmem>>, vector<1x16xf32>,
        %get3A_64 = vector.shape_cast %get3A_63 : vector<1x16xf32> to vector<16xf32>
        %get3A_65 = arith.index_cast %add3A_61 : i32 to index
        %get3A_66 = arith.constant 0 : index
        %get3A_67 = tpu.vector_load %arg8[%get3A_65, %get3A_66] {strides = array<i32>} : memref<128x16xf32, #tpu.memory_space<vmem>>, vector<1x16xf32>,
        %get3A_68 = vector.shape_cast %get3A_67 : vector<1x16xf32> to vector<16xf32>
        %get3A_69 = arith.index_cast %add3A_61 : i32 to index
        %get3A_70 = arith.constant 0 : index
        %get3A_71 = tpu.vector_load %arg9[%get3A_69, %get3A_70] {strides = array<i32>} : memref<128x16xf32, #tpu.memory_space<vmem>>, vector<1x16xf32>,
        %get3A_72 = vector.shape_cast %get3A_71 : vector<1x16xf32> to vector<16xf32>
        %sub3A_73 = arith.subf %get3A_68, %get3A_64 : vector<16xf32>
        %sub3A_74 = arith.subf %get3A_72, %get3A_64 : vector<16xf32>
        %broadcast_in_dim3A = vector.shape_cast %select_n3A_10 : vector<16xi32> to vector<16x1xi32>
        %gather3A = vector.shape_cast %broadcast_in_dim3A : vector<16x1xi32> to vector<16xi32>
        %gather3A_75 = tpu.dynamic_gather %sub3A_74[%gather3A] in [0] : vector<16xf32>, vector<16xi32> -> vector<16xf32>
        %mul3A_76 = arith.mulf %sub3A_73, %gather3A_75 : vector<16xf32>
        %broadcast_in_dim3A_77 = vector.shape_cast %select_n3A_10 : vector<16xi32> to vector<16x1xi32>
        %gather3A_78 = vector.shape_cast %broadcast_in_dim3A_77 : vector<16x1xi32> to vector<16xi32>
        %gather3A_79 = tpu.dynamic_gather %sub3A_73[%gather3A_78] in [0] : vector<16xf32>, vector<16xi32> -> vector<16xf32>
        %mul3A_80 = arith.mulf %gather3A_79, %sub3A_74 : vector<16xf32>
        %sub3A_81 = arith.subf %mul3A_76, %mul3A_80 : vector<16xf32>
        %swap3A = arith.index_cast %add3A_61 : i32 to index
        %swap3A_82 = arith.constant 0 : index
        %swap3A_83 = tpu.vector_load %arg10[%swap3A, %swap3A_82] {strides = array<i32>} : memref<128x16xf32, #tpu.memory_space<vmem>>, vector<1x16xf32>,
        %swap3A_84 = vector.shape_cast %swap3A_83 : vector<1x16xf32> to vector<16xf32>
        %swap3A_85 = vector.shape_cast %sub3A_81 : vector<16xf32> to vector<1x16xf32>
        tpu.vector_store %arg10[%swap3A, %swap3A_82], %swap3A_85 {strides = array<i32>} : memref<128x16xf32, #tpu.memory_space<vmem>>, vector<1x16xf32>,
      }
      %scan3A_53 = arith.constant 128 : i32
      %run_scoped3A_54 = arith.constant 0 : i32
      "tpu.region"() ({
        %run_scoped3A_57 = tpu.sem_alloc : memref<!tpu.dma_semaphore, #tpu.memory_space<semaphore_mem>>
        %dma_start3A = arith.constant 0 : i32
        %dma_start3A_58 = tpu.memref_slice %arg6[%run_scoped3A_54, %dma_start3A] : memref<3x128xi32, #tpu.memory_space<vmem>> -> memref<1x128xi32, #tpu.memory_space<vmem>>
        %dma_start3A_59 = tpu.memref_squeeze %dma_start3A_58 : memref<1x128xi32, #tpu.memory_space<vmem>> -> memref<128xi32, #tpu.memory_space<vmem>>
        %dma_start3A_60 = arith.constant 0 : i32
        %dma_start3A_61 = arith.constant 0 : i32
        %dma_start3A_62 = tpu.memref_slice %arg5[%dma_start3A_60, %dma_start3A_61] : memref<100352x16xf32, #tpu.memory_space<vmem_shared>> -> memref<100352x16xf32, #tpu.memory_space<vmem_shared>>
        tpu.enqueue_indirect_dma source(%arg10 : memref<128x16xf32, #tpu.memory_space<vmem>>) target(%dma_start3A_62 : memref<100352x16xf32, #tpu.memory_space<vmem_shared>>) offsets(%dma_start3A_59 : memref<128xi32, #tpu.memory_space<vmem>>) semaphore(%run_scoped3A_57 : memref<!tpu.dma_semaphore, #tpu.memory_space<semaphore_mem>>) {add = true}
        %dma_wait3A = arith.constant 0 : i32
        %dma_wait3A_63 = tpu.memref_slice %arg6[%run_scoped3A_54, %dma_wait3A] : memref<3x128xi32, #tpu.memory_space<vmem>> -> memref<1x128xi32, #tpu.memory_space<vmem>>
        %dma_wait3A_64 = tpu.memref_squeeze %dma_wait3A_63 : memref<1x128xi32, #tpu.memory_space<vmem>> -> memref<128xi32, #tpu.memory_space<vmem>>
        %dma_wait3A_65 = arith.constant 0 : i32
        %dma_wait3A_66 = arith.constant 0 : i32
        %dma_wait3A_67 = tpu.memref_slice %arg5[%dma_wait3A_65, %dma_wait3A_66] : memref<100352x16xf32, #tpu.memory_space<vmem_shared>> -> memref<100352x16xf32, #tpu.memory_space<vmem_shared>>
        tpu.wait_indirect_dma semaphore(%run_scoped3A_57 : memref<!tpu.dma_semaphore, #tpu.memory_space<semaphore_mem>>) src(%arg10 : memref<128x16xf32, #tpu.memory_space<vmem>>) dst(%dma_wait3A_67 : memref<100352x16xf32, #tpu.memory_space<vmem_shared>>)
        tpu.yield
      }) : () -> ()
      %run_scoped3A_55 = arith.constant 1 : i32
      "tpu.region"() ({
        %run_scoped3A_57 = tpu.sem_alloc : memref<!tpu.dma_semaphore, #tpu.memory_space<semaphore_mem>>
        %dma_start3A = arith.constant 0 : i32
        %dma_start3A_58 = tpu.memref_slice %arg6[%run_scoped3A_55, %dma_start3A] : memref<3x128xi32, #tpu.memory_space<vmem>> -> memref<1x128xi32, #tpu.memory_space<vmem>>
        %dma_start3A_59 = tpu.memref_squeeze %dma_start3A_58 : memref<1x128xi32, #tpu.memory_space<vmem>> -> memref<128xi32, #tpu.memory_space<vmem>>
        %dma_start3A_60 = arith.constant 0 : i32
        %dma_start3A_61 = arith.constant 0 : i32
        %dma_start3A_62 = tpu.memref_slice %arg5[%dma_start3A_60, %dma_start3A_61] : memref<100352x16xf32, #tpu.memory_space<vmem_shared>> -> memref<100352x16xf32, #tpu.memory_space<vmem_shared>>
        tpu.enqueue_indirect_dma source(%arg10 : memref<128x16xf32, #tpu.memory_space<vmem>>) target(%dma_start3A_62 : memref<100352x16xf32, #tpu.memory_space<vmem_shared>>) offsets(%dma_start3A_59 : memref<128xi32, #tpu.memory_space<vmem>>) semaphore(%run_scoped3A_57 : memref<!tpu.dma_semaphore, #tpu.memory_space<semaphore_mem>>) {add = true}
        %dma_wait3A = arith.constant 0 : i32
        %dma_wait3A_63 = tpu.memref_slice %arg6[%run_scoped3A_55, %dma_wait3A] : memref<3x128xi32, #tpu.memory_space<vmem>> -> memref<1x128xi32, #tpu.memory_space<vmem>>
        %dma_wait3A_64 = tpu.memref_squeeze %dma_wait3A_63 : memref<1x128xi32, #tpu.memory_space<vmem>> -> memref<128xi32, #tpu.memory_space<vmem>>
        %dma_wait3A_65 = arith.constant 0 : i32
        %dma_wait3A_66 = arith.constant 0 : i32
        %dma_wait3A_67 = tpu.memref_slice %arg5[%dma_wait3A_65, %dma_wait3A_66] : memref<100352x16xf32, #tpu.memory_space<vmem_shared>> -> memref<100352x16xf32, #tpu.memory_space<vmem_shared>>
        tpu.wait_indirect_dma semaphore(%run_scoped3A_57 : memref<!tpu.dma_semaphore, #tpu.memory_space<semaphore_mem>>) src(%arg10 : memref<128x16xf32, #tpu.memory_space<vmem>>) dst(%dma_wait3A_67 : memref<100352x16xf32, #tpu.memory_space<vmem_shared>>)
        tpu.yield
      }) : () -> ()
      %run_scoped3A_56 = arith.constant 2 : i32
      "tpu.region"() ({
        %run_scoped3A_57 = tpu.sem_alloc : memref<!tpu.dma_semaphore, #tpu.memory_space<semaphore_mem>>
        %dma_start3A = arith.constant 0 : i32
        %dma_start3A_58 = tpu.memref_slice %arg6[%run_scoped3A_56, %dma_start3A] : memref<3x128xi32, #tpu.memory_space<vmem>> -> memref<1x128xi32, #tpu.memory_space<vmem>>
        %dma_start3A_59 = tpu.memref_squeeze %dma_start3A_58 : memref<1x128xi32, #tpu.memory_space<vmem>> -> memref<128xi32, #tpu.memory_space<vmem>>
        %dma_start3A_60 = arith.constant 0 : i32
        %dma_start3A_61 = arith.constant 0 : i32
        %dma_start3A_62 = tpu.memref_slice %arg5[%dma_start3A_60, %dma_start3A_61] : memref<100352x16xf32, #tpu.memory_space<vmem_shared>> -> memref<100352x16xf32, #tpu.memory_space<vmem_shared>>
        tpu.enqueue_indirect_dma source(%arg10 : memref<128x16xf32, #tpu.memory_space<vmem>>) target(%dma_start3A_62 : memref<100352x16xf32, #tpu.memory_space<vmem_shared>>) offsets(%dma_start3A_59 : memref<128xi32, #tpu.memory_space<vmem>>) semaphore(%run_scoped3A_57 : memref<!tpu.dma_semaphore, #tpu.memory_space<semaphore_mem>>) {add = true}
        %dma_wait3A = arith.constant 0 : i32
        %dma_wait3A_63 = tpu.memref_slice %arg6[%run_scoped3A_56, %dma_wait3A] : memref<3x128xi32, #tpu.memory_space<vmem>> -> memref<1x128xi32, #tpu.memory_space<vmem>>
        %dma_wait3A_64 = tpu.memref_squeeze %dma_wait3A_63 : memref<1x128xi32, #tpu.memory_space<vmem>> -> memref<128xi32, #tpu.memory_space<vmem>>
        %dma_wait3A_65 = arith.constant 0 : i32
        %dma_wait3A_66 = arith.constant 0 : i32
        %dma_wait3A_67 = tpu.memref_slice %arg5[%dma_wait3A_65, %dma_wait3A_66] : memref<100352x16xf32, #tpu.memory_space<vmem_shared>> -> memref<100352x16xf32, #tpu.memory_space<vmem_shared>>
        tpu.wait_indirect_dma semaphore(%run_scoped3A_57 : memref<!tpu.dma_semaphore, #tpu.memory_space<semaphore_mem>>) src(%arg10 : memref<128x16xf32, #tpu.memory_space<vmem>>) dst(%dma_wait3A_67 : memref<100352x16xf32, #tpu.memory_space<vmem_shared>>)
        tpu.yield
      }) : () -> ()
    }
    %scan3A_28 = arith.constant 391 : i32
    %barrier3A_29 = arith.constant 0 : index
    tpu.barrier barrier_id(%barrier3A_29)
    "tpu.region"() ({
      %run_scoped3A = tpu.sem_alloc : memref<!tpu.dma_semaphore, #tpu.memory_space<semaphore_mem>>
      %dma_start3A = arith.constant 0 : i32
      %dma_start3A_30 = tpu.memref_slice %arg4[%arg0, %mul3A_15, %dma_start3A] : memref<2x100352x16xf32, #tpu.memory_space<hbm>> -> memref<1x6272x16xf32, #tpu.memory_space<hbm>>
      %dma_start3A_31 = tpu.memref_squeeze %dma_start3A_30 : memref<1x6272x16xf32, #tpu.memory_space<hbm>> -> memref<6272x16xf32, #tpu.memory_space<hbm>>
      %dma_start3A_32 = arith.constant 0 : i32
      %dma_start3A_33 = tpu.memref_slice %arg5[%mul3A_15, %dma_start3A_32] : memref<100352x16xf32, #tpu.memory_space<vmem_shared>> -> memref<6272x16xf32, #tpu.memory_space<vmem_shared>>
      tpu.enqueue_dma source(%dma_start3A_33 : memref<6272x16xf32, #tpu.memory_space<vmem_shared>>) target(%dma_start3A_31 : memref<6272x16xf32, #tpu.memory_space<hbm>>) target_semaphore(%run_scoped3A : memref<!tpu.dma_semaphore, #tpu.memory_space<semaphore_mem>>)
      %dma_wait3A = arith.constant 0 : i32
      %dma_wait3A_34 = tpu.memref_slice %arg4[%arg0, %mul3A_15, %dma_wait3A] : memref<2x100352x16xf32, #tpu.memory_space<hbm>> -> memref<1x6272x16xf32, #tpu.memory_space<hbm>>
      %dma_wait3A_35 = tpu.memref_squeeze %dma_wait3A_34 : memref<1x6272x16xf32, #tpu.memory_space<hbm>> -> memref<6272x16xf32, #tpu.memory_space<hbm>>
      %dma_wait3A_36 = arith.constant 0 : i32
      %dma_wait3A_37 = tpu.memref_slice %arg5[%mul3A_15, %dma_wait3A_36] : memref<100352x16xf32, #tpu.memory_space<vmem_shared>> -> memref<6272x16xf32, #tpu.memory_space<vmem_shared>>
      tpu.wait_dma2 semaphore(%run_scoped3A : memref<!tpu.dma_semaphore, #tpu.memory_space<semaphore_mem>>) src(%dma_wait3A_37 : memref<6272x16xf32, #tpu.memory_space<vmem_shared>>) dst(%dma_wait3A_35 : memref<6272x16xf32, #tpu.memory_space<hbm>>)
      tpu.yield
    }) : () -> ()
    return
  }
}

module attributes {stable_mosaic.version = 14 : i64} {
  func.func @body(%arg0: i32, %arg1: memref<2x16x1024xf32, #tpu.memory_space<vmem>>, %arg2: memref<16x1024xf32, #tpu.memory_space<vmem>>) attributes {dimension_semantics = [#tpu.dimension_semantics<arbitrary>], iteration_bounds = array<i64: 98>, scalar_prefetch = 0 : i64, scratch_operands = 0 : i64, tpu.core_type = #tpu.core_type<tc>, window_params = [{transform_indices = @transform_0, window_bounds = array<i64: 2, 16, 1024>}, {transform_indices = @transform_1, window_bounds = array<i64: 16, 1024>}]} {
    %get3A = arith.constant 0 : index
    %get3A_0 = arith.constant 0 : index
    %get3A_1 = arith.constant 0 : index
    %get3A_2 = vector.load %arg1[%get3A, %get3A_0, %get3A_1] : memref<2x16x1024xf32, #tpu.memory_space<vmem>>, vector<1x16x1024xf32>
    %get3A_3 = vector.shape_cast %get3A_2 : vector<1x16x1024xf32> to vector<16x1024xf32>
    %get3A_4 = arith.constant 1 : index
    %get3A_5 = arith.constant 0 : index
    %get3A_6 = arith.constant 0 : index
    %get3A_7 = vector.load %arg1[%get3A_4, %get3A_5, %get3A_6] : memref<2x16x1024xf32, #tpu.memory_space<vmem>>, vector<1x16x1024xf32>
    %get3A_8 = vector.shape_cast %get3A_7 : vector<1x16x1024xf32> to vector<16x1024xf32>
    %add3A = arith.addf %get3A_3, %get3A_8 : vector<16x1024xf32>
    %iota3A = tpu.iota {dimensions = array<i32: 0>} : vector<3x1024xi32>
    %eq3A = arith.constant 0 : i32
    %eq3A_9 = vector.broadcast %eq3A : i32 to vector<3x1024xi32>
    %eq3A_10 = arith.cmpi eq, %iota3A, %eq3A_9 : vector<3x1024xi32>
    %jit3A = arith.constant 1.000000e+00 : f32
    %jit3A_11 = arith.constant 0.000000e+00 : f32
    %broadcast_in_dim3A = vector.broadcast %jit3A : f32 to vector<3x1024xf32>
    %broadcast_in_dim3A_12 = vector.broadcast %jit3A_11 : f32 to vector<3x1024xf32>
    %select_n3A = arith.select %eq3A_10, %broadcast_in_dim3A, %broadcast_in_dim3A_12 : vector<3x1024xi1>, vector<3x1024xf32>
    %slice3A = vector.extract_strided_slice %add3A {offsets = [0, 0], sizes = [3, 1024], strides = [1, 1]} : vector<16x1024xf32> to vector<3x1024xf32>
    %mul3A = arith.mulf %slice3A, %slice3A : vector<3x1024xf32>
    %reduce_sum3A = arith.constant dense<0.000000e+00> : vector<1024xf32>
    %reduce_sum3A_13 = vector.multi_reduction <add>, %mul3A, %reduce_sum3A [0] : vector<3x1024xf32> to vector<1024xf32>
    %broadcast_in_dim3A_14 = vector.shape_cast %reduce_sum3A_13 : vector<1024xf32> to vector<1x1024xf32>
    %gt3A = arith.constant 9.99999968E-21 : f32
    %gt3A_15 = vector.broadcast %gt3A : f32 to vector<1x1024xf32>
    %gt3A_16 = arith.cmpf ogt, %broadcast_in_dim3A_14, %gt3A_15 : vector<1x1024xf32>
    %broadcast_in_dim3A_17 = vector.shape_cast %gt3A_16 : vector<1x1024xi1> to vector<1x1024xi1>
    %broadcast_in_dim3A_18 = vector.broadcast %broadcast_in_dim3A_17 : vector<1x1024xi1> to vector<3x1024xi1>
    %select_n3A_19 = arith.select %broadcast_in_dim3A_18, %slice3A, %select_n3A : vector<3x1024xi1>, vector<3x1024xf32>
    %jit3A_20 = arith.constant 1.000000e+00 : f32
    %broadcast_in_dim3A_21 = vector.broadcast %jit3A_20 : f32 to vector<1x1024xf32>
    %select_n3A_22 = arith.select %gt3A_16, %broadcast_in_dim3A_14, %broadcast_in_dim3A_21 : vector<1x1024xi1>, vector<1x1024xf32>
    %max3A = arith.constant 9.99999968E-21 : f32
    %max3A_23 = vector.broadcast %max3A : f32 to vector<1x1024xf32>
    %max3A_24 = arith.maximumf %select_n3A_22, %max3A_23 : vector<1x1024xf32>
    %rsqrt3A = math.rsqrt %max3A_24 : vector<1x1024xf32>
    %mul3A_25 = vector.broadcast %rsqrt3A : vector<1x1024xf32> to vector<3x1024xf32>
    %mul3A_26 = arith.mulf %select_n3A_19, %mul3A_25 : vector<3x1024xf32>
    %swap3A = arith.constant 0 : index
    %swap3A_27 = arith.constant 0 : index
    %swap3A_28 = vector.load %arg2[%swap3A, %swap3A_27] : memref<16x1024xf32, #tpu.memory_space<vmem>>, vector<3x1024xf32>
    tpu.vector_store %arg2[%swap3A, %swap3A_27], %mul3A_26 {strides = array<i32>} : memref<16x1024xf32, #tpu.memory_space<vmem>>, vector<3x1024xf32>,
    %slice3A_29 = vector.extract_strided_slice %add3A {offsets = [3, 0], sizes = [3, 1024], strides = [1, 1]} : vector<16x1024xf32> to vector<3x1024xf32>
    %mul3A_30 = arith.mulf %slice3A_29, %slice3A_29 : vector<3x1024xf32>
    %reduce_sum3A_31 = arith.constant dense<0.000000e+00> : vector<1024xf32>
    %reduce_sum3A_32 = vector.multi_reduction <add>, %mul3A_30, %reduce_sum3A_31 [0] : vector<3x1024xf32> to vector<1024xf32>
    %broadcast_in_dim3A_33 = vector.shape_cast %reduce_sum3A_32 : vector<1024xf32> to vector<1x1024xf32>
    %gt3A_34 = arith.constant 9.99999968E-21 : f32
    %gt3A_35 = vector.broadcast %gt3A_34 : f32 to vector<1x1024xf32>
    %gt3A_36 = arith.cmpf ogt, %broadcast_in_dim3A_33, %gt3A_35 : vector<1x1024xf32>
    %broadcast_in_dim3A_37 = vector.shape_cast %gt3A_36 : vector<1x1024xi1> to vector<1x1024xi1>
    %broadcast_in_dim3A_38 = vector.broadcast %broadcast_in_dim3A_37 : vector<1x1024xi1> to vector<3x1024xi1>
    %select_n3A_39 = arith.select %broadcast_in_dim3A_38, %slice3A_29, %select_n3A : vector<3x1024xi1>, vector<3x1024xf32>
    %jit3A_40 = arith.constant 1.000000e+00 : f32
    %broadcast_in_dim3A_41 = vector.broadcast %jit3A_40 : f32 to vector<1x1024xf32>
    %select_n3A_42 = arith.select %gt3A_36, %broadcast_in_dim3A_33, %broadcast_in_dim3A_41 : vector<1x1024xi1>, vector<1x1024xf32>
    %max3A_43 = arith.constant 9.99999968E-21 : f32
    %max3A_44 = vector.broadcast %max3A_43 : f32 to vector<1x1024xf32>
    %max3A_45 = arith.maximumf %select_n3A_42, %max3A_44 : vector<1x1024xf32>
    %rsqrt3A_46 = math.rsqrt %max3A_45 : vector<1x1024xf32>
    %mul3A_47 = vector.broadcast %rsqrt3A_46 : vector<1x1024xf32> to vector<3x1024xf32>
    %mul3A_48 = arith.mulf %select_n3A_39, %mul3A_47 : vector<3x1024xf32>
    %swap3A_49 = arith.constant 3 : index
    %swap3A_50 = arith.constant 0 : index
    %swap3A_51 = vector.load %arg2[%swap3A_49, %swap3A_50] : memref<16x1024xf32, #tpu.memory_space<vmem>>, vector<3x1024xf32>
    tpu.vector_store %arg2[%swap3A_49, %swap3A_50], %mul3A_48 {strides = array<i32>} : memref<16x1024xf32, #tpu.memory_space<vmem>>, vector<3x1024xf32>,
    %slice3A_52 = vector.extract_strided_slice %add3A {offsets = [6, 0], sizes = [3, 1024], strides = [1, 1]} : vector<16x1024xf32> to vector<3x1024xf32>
    %mul3A_53 = arith.mulf %slice3A_52, %slice3A_52 : vector<3x1024xf32>
    %reduce_sum3A_54 = arith.constant dense<0.000000e+00> : vector<1024xf32>
    %reduce_sum3A_55 = vector.multi_reduction <add>, %mul3A_53, %reduce_sum3A_54 [0] : vector<3x1024xf32> to vector<1024xf32>
    %broadcast_in_dim3A_56 = vector.shape_cast %reduce_sum3A_55 : vector<1024xf32> to vector<1x1024xf32>
    %gt3A_57 = arith.constant 9.99999968E-21 : f32
    %gt3A_58 = vector.broadcast %gt3A_57 : f32 to vector<1x1024xf32>
    %gt3A_59 = arith.cmpf ogt, %broadcast_in_dim3A_56, %gt3A_58 : vector<1x1024xf32>
    %broadcast_in_dim3A_60 = vector.shape_cast %gt3A_59 : vector<1x1024xi1> to vector<1x1024xi1>
    %broadcast_in_dim3A_61 = vector.broadcast %broadcast_in_dim3A_60 : vector<1x1024xi1> to vector<3x1024xi1>
    %select_n3A_62 = arith.select %broadcast_in_dim3A_61, %slice3A_52, %select_n3A : vector<3x1024xi1>, vector<3x1024xf32>
    %jit3A_63 = arith.constant 1.000000e+00 : f32
    %broadcast_in_dim3A_64 = vector.broadcast %jit3A_63 : f32 to vector<1x1024xf32>
    %select_n3A_65 = arith.select %gt3A_59, %broadcast_in_dim3A_56, %broadcast_in_dim3A_64 : vector<1x1024xi1>, vector<1x1024xf32>
    %max3A_66 = arith.constant 9.99999968E-21 : f32
    %max3A_67 = vector.broadcast %max3A_66 : f32 to vector<1x1024xf32>
    %max3A_68 = arith.maximumf %select_n3A_65, %max3A_67 : vector<1x1024xf32>
    %rsqrt3A_69 = math.rsqrt %max3A_68 : vector<1x1024xf32>
    %mul3A_70 = vector.broadcast %rsqrt3A_69 : vector<1x1024xf32> to vector<3x1024xf32>
    %mul3A_71 = arith.mulf %select_n3A_62, %mul3A_70 : vector<3x1024xf32>
    %swap3A_72 = arith.constant 6 : index
    %swap3A_73 = arith.constant 0 : index
    %swap3A_74 = vector.load %arg2[%swap3A_72, %swap3A_73] : memref<16x1024xf32, #tpu.memory_space<vmem>>, vector<3x1024xf32>
    tpu.vector_store %arg2[%swap3A_72, %swap3A_73], %mul3A_71 {strides = array<i32>} : memref<16x1024xf32, #tpu.memory_space<vmem>>, vector<3x1024xf32>,
    %slice3A_75 = vector.extract_strided_slice %add3A {offsets = [9, 0], sizes = [3, 1024], strides = [1, 1]} : vector<16x1024xf32> to vector<3x1024xf32>
    %mul3A_76 = arith.mulf %slice3A_75, %slice3A_75 : vector<3x1024xf32>
    %reduce_sum3A_77 = arith.constant dense<0.000000e+00> : vector<1024xf32>
    %reduce_sum3A_78 = vector.multi_reduction <add>, %mul3A_76, %reduce_sum3A_77 [0] : vector<3x1024xf32> to vector<1024xf32>
    %broadcast_in_dim3A_79 = vector.shape_cast %reduce_sum3A_78 : vector<1024xf32> to vector<1x1024xf32>
    %gt3A_80 = arith.constant 9.99999968E-21 : f32
    %gt3A_81 = vector.broadcast %gt3A_80 : f32 to vector<1x1024xf32>
    %gt3A_82 = arith.cmpf ogt, %broadcast_in_dim3A_79, %gt3A_81 : vector<1x1024xf32>
    %broadcast_in_dim3A_83 = vector.shape_cast %gt3A_82 : vector<1x1024xi1> to vector<1x1024xi1>
    %broadcast_in_dim3A_84 = vector.broadcast %broadcast_in_dim3A_83 : vector<1x1024xi1> to vector<3x1024xi1>
    %select_n3A_85 = arith.select %broadcast_in_dim3A_84, %slice3A_75, %select_n3A : vector<3x1024xi1>, vector<3x1024xf32>
    %jit3A_86 = arith.constant 1.000000e+00 : f32
    %broadcast_in_dim3A_87 = vector.broadcast %jit3A_86 : f32 to vector<1x1024xf32>
    %select_n3A_88 = arith.select %gt3A_82, %broadcast_in_dim3A_79, %broadcast_in_dim3A_87 : vector<1x1024xi1>, vector<1x1024xf32>
    %max3A_89 = arith.constant 9.99999968E-21 : f32
    %max3A_90 = vector.broadcast %max3A_89 : f32 to vector<1x1024xf32>
    %max3A_91 = arith.maximumf %select_n3A_88, %max3A_90 : vector<1x1024xf32>
    %rsqrt3A_92 = math.rsqrt %max3A_91 : vector<1x1024xf32>
    %mul3A_93 = vector.broadcast %rsqrt3A_92 : vector<1x1024xf32> to vector<3x1024xf32>
    %mul3A_94 = arith.mulf %select_n3A_85, %mul3A_93 : vector<3x1024xf32>
    %swap3A_95 = arith.constant 9 : index
    %swap3A_96 = arith.constant 0 : index
    %swap3A_97 = vector.load %arg2[%swap3A_95, %swap3A_96] : memref<16x1024xf32, #tpu.memory_space<vmem>>, vector<3x1024xf32>
    tpu.vector_store %arg2[%swap3A_95, %swap3A_96], %mul3A_94 {strides = array<i32>} : memref<16x1024xf32, #tpu.memory_space<vmem>>, vector<3x1024xf32>,
    %broadcast_in_dim3A_98 = arith.constant 0.000000e+00 : f32
    %broadcast_in_dim3A_99 = vector.broadcast %broadcast_in_dim3A_98 : f32 to vector<4x1024xf32>
    %swap3A_100 = arith.constant 12 : index
    %swap3A_101 = arith.constant 0 : index
    %swap3A_102 = vector.load %arg2[%swap3A_100, %swap3A_101] : memref<16x1024xf32, #tpu.memory_space<vmem>>, vector<4x1024xf32>
    tpu.vector_store %arg2[%swap3A_100, %swap3A_101], %broadcast_in_dim3A_99 {strides = array<i32>} : memref<16x1024xf32, #tpu.memory_space<vmem>>, vector<4x1024xf32>,
    return
  }
  func.func @transform_0(%arg0: i32) -> (i32, i32, i32) {
    %c0_i32 = arith.constant 0 : i32
    %c0_i32_0 = arith.constant 0 : i32
    %c0_i32_1 = arith.constant 0 : i32
    return %c0_i32, %c0_i32_0, %arg0 : i32, i32, i32
  }
  func.func @transform_1(%arg0: i32) -> (i32, i32) {
    %c0_i32 = arith.constant 0 : i32
    %c0_i32_0 = arith.constant 0 : i32
    return %c0_i32, %arg0 : i32, i32
  }
}

</mosaic_0001>

<sc_bundles>
// kernel: kernel.4.cloned.1.call-start
scs
__scs_entry_jumppad:
0x0: {  	(pc) =	sbr.rel $0x88, $3  }
0x1: {  	(tag) =	ssettag $0x0;
	lr =	simm.s32 $0x1  }
0x2: {  	[smem:$0x3F9F] =	sst lr;
	_ =	strace $0xD0000000  }
0x3: {  	_ = 	snop  }
0x4: {  	_ = 	snop  }
0x5: {  	_ = 	snop  }
0x6: {  	_ = 	snop  }
0x7: {  	_ = 	snop  }
__scs_overlays_trampoline_lowered:
0x8: {  	[smem:$0x3FAE] =	sst s0  }
0x9: {  	[smem:$0x3FAF] =	sst s1  }
0xa: {  	[smem:$0x3FB0] =	sst s2  }
0xb: {  	[smem:$0x3FB1] =	sst s3  }
0xc: {  	[smem:$0x3FB2] =	sst s4  }
0xd: {  	[smem:$0x3FB3] =	sst s5  }
0xe: {  	[smem:$0x3FB4] =	sst s6  }
0xf: {  	[smem:$0x3FB5] =	sst s7  }
0x10: {  	[smem:$0x3FB6] =	sst s8  }
0x11: {  	[smem:$0x3FB7] =	sst s9;
	s0 =	simm.s32 @!p0 $0x0  }
0x12: {  	s1 =	sld [smem:$0x3F9D];
	s0 =	simm.s32 @p0 $0x1  }
0x13: {  	[smem:$0x3FB8] =	sst s0;
	s0 =	simm.s32 @!p1 $0x0  }
0x14: {  	s2 =	sld [smem:$0x3F9C];
	s0 =	simm.s32 @p1 $0x1  }
0x15: {  	[smem:$0x3FB9] =	sst s0;
	s0 =	simm.s32 @!p2 $0x0  }
0x16: {  	s3 =	sld [smem:$0x3FDB];
	s0 =	simm.s32 @p2 $0x1  }
0x17: {  	s4 =	simm.s32 $0x1BF5;
	[smem:$0x3FBB] =	sst s0  }
0x18: {  	s0 =	sld [smem:$0x3F9E];
	_ =	swait.ge [sflag:s4], $0x0  }
0x19: {  	s7 =	sld [smem:$0x3F9F]  }
0x1a: {  	s8 =	sadd.s32 $0xFFFFE003, lr  }
0x1b: {  	s9 =	sadd.s32 $0xFFFFFEF7, lr;
	s5 =	simm.s32 $0xFFFFFFFF;
	p2 =	slt.u32 s8, $0xFFFFF086  }
0x1c: {  	p1 =	slt.u32 s9, $0xF7A;
	s5 =	simm.s32 @!p2 $0x0  }
0x1d: {  	s5 =	simm.s32 @p1 $0x1;
	p0 =	seq.s32 s7, s2  }
0x1e: {  	s7 =	smul.u32 @!p0 $0xF7A, s2;
	p2 =	seq.s32 @!p0 s5, $0x0  }
0x1f: {  	s9 =	smul.u32 $0xF7A, s1;
	s8 =	simm.s32 @!p0 $0x1BF5;
	p2 =	por !p2, p0  }
0x20: {  	[sflag:s8] =	ssyncset.s32 @!p0 $0xFFFFF086;
	s6 =	sadd.s32 @!p0 s3, s7;
	s7 =	simm.s32 @!p0 $0x108  }
0x21: {  	s3 =	sadd.s32 s3, s9;
	s6 =	sadd.s32 @!p0 $0x88, s6;
	s7 =	simm.s32 @p2 $0x1082  }
0x22: {  	[simem:s7], [sflag:s8] =	dma.local @!p0 [hbm:s6], $0xF7A  }
0x23: {  	s9 =	sor.u32 $0xD0000000, s2;
	s6 =	simm.s32 $0x108;
	_ =	swait.ge @!p0 [sflag:s8], $0x0  }
0x24: {  	s3 =	sadd.s32 $0x88, s3;
	s6 =	simm.s32 @!p1 $0x1082;
	[sflag:s4] =	ssyncset.s32 $0xFFFFF086  }
0x25: {  	[simem:s6], [sflag:s4] =	dma.local [hbm:s3], $0xF7A  }
0x26: {  	[smem:$0x3F9F] =	sst s1;
	(tag) =	ssettag s2;
	_ =	strace s9  }
0x27: {  	s1 =	sld [smem:$0x3FAF]  }
0x28: {  	s2 =	sld [smem:$0x3FB0]  }
0x29: {  	s4 =	sld [smem:$0x3FB2]  }
0x2a: {  	p0 =	seq.s32 s5, $0x0;
	s5 =	sld [smem:$0x3FB3]  }
0x2b: {  	s6 =	sld [smem:$0x3FB4]  }
0x2c: {  	s7 =	sld [smem:$0x3FB5]  }
0x2d: {  	s3 =	simm.s32 $0x108;
	s8 =	sld [smem:$0x3FB6]  }
0x2e: {  	s3 =	simm.s32 @!p0 $0x1082;
	s9 =	sld [smem:$0x3FB7]  }
0x2f: {  	lr =	sadd.s32 s0, s3;
	s0 =	sld [smem:$0x3FAE]  }
0x30: {  	s3 =	sld [smem:$0x3FB1]  }
0x31: {  	[smem:$0x3FBA] =	sst s10  }
0x32: {  	s10 =	sld [smem:$0x3FB8];
	_ =	sdelay $0x3  }
0x33: {  	p0 =	seq.s32 s10, $0x1;
	s10 =	sld [smem:$0x3FBA];
	_ =	sdelay $0x3  }
0x34: {  	[smem:$0x3FBA] =	sst s10  }
0x35: {  	s10 =	sld [smem:$0x3FB9];
	_ =	sdelay $0x3  }
0x36: {  	p1 =	seq.s32 s10, $0x1;
	s10 =	sld [smem:$0x3FBA];
	_ =	sdelay $0x3  }
0x37: {  	[smem:$0x3FBA] =	sst s10  }
0x38: {  	s10 =	sld [smem:$0x3FBB]  }
0x39: {  	_ = 	snop;
	(pc) =	sbr.ind lr, $3  }
0x3a: {  	_ = 	snop  }
0x3b: {  	_ = 	snop  }
0x3c: {  	p2 =	seq.s32 s10, $0x1;
	s10 =	sld [smem:$0x3FBA]  }
0x3d: {  	_ =	shalt  }
0x3e: {  	_ =	shalt  }
0x3f: {  	_ =	shalt  }
0x40: {  	_ =	shalt  }
0x41: {  	_ =	shalt  }
0x42: {  	_ =	shalt  }
0x43: {  	_ =	shalt  }
0x44: {  	_ =	shalt  }
0x45: {  	_ =	shalt  }
0x46: {  	_ =	shalt  }
0x47: {  	_ =	shalt  }
0x48: {  	_ =	shalt  }
0x49: {  	_ =	shalt  }
0x4a: {  	_ =	shalt  }
0x4b: {  	_ =	shalt  }
0x4c: {  	_ =	shalt  }
0x4d: {  	_ =	shalt  }
0x4e: {  	_ =	shalt  }
0x4f: {  	_ =	shalt  }
0x50: {  	_ =	shalt  }
0x51: {  	_ =	shalt  }
0x52: {  	_ =	shalt  }
0x53: {  	_ =	shalt  }
0x54: {  	_ =	shalt  }
0x55: {  	_ =	shalt  }
0x56: {  	_ =	shalt  }
0x57: {  	_ =	shalt  }
0x58: {  	_ =	shalt  }
0x59: {  	_ =	shalt  }
0x5a: {  	_ =	shalt  }
0x5b: {  	_ =	shalt  }
0x5c: {  	_ =	shalt  }
0x5d: {  	_ =	shalt  }
0x5e: {  	_ =	shalt  }
0x5f: {  	_ =	shalt  }
0x60: {  	_ =	shalt  }
0x61: {  	_ =	shalt  }
0x62: {  	_ =	shalt  }
0x63: {  	_ =	shalt  }
0x64: {  	_ =	shalt  }
0x65: {  	_ =	shalt  }
0x66: {  	_ =	shalt  }
0x67: {  	_ =	shalt  }
0x68: {  	_ =	shalt  }
0x69: {  	_ =	shalt  }
0x6a: {  	_ =	shalt  }
0x6b: {  	_ =	shalt  }
0x6c: {  	_ =	shalt  }
0x6d: {  	_ =	shalt  }
0x6e: {  	_ =	shalt  }
0x6f: {  	_ =	shalt  }
0x70: {  	_ =	shalt  }
0x71: {  	_ =	shalt  }
0x72: {  	_ =	shalt  }
0x73: {  	_ =	shalt  }
0x74: {  	_ =	shalt  }
0x75: {  	_ =	shalt  }
0x76: {  	_ =	shalt  }
0x77: {  	_ =	shalt  }
0x78: {  	_ =	shalt  }
0x79: {  	_ =	shalt  }
0x7a: {  	_ =	shalt  }
0x7b: {  	_ =	shalt  }
0x7c: {  	_ =	shalt  }
0x7d: {  	_ =	shalt  }
0x7e: {  	_ =	shalt  }
0x7f: {  	_ =	shalt  }
0x80: {  	_ =	shalt  }
0x81: {  	_ =	shalt  }
0x82: {  	_ =	shalt  }
0x83: {  	_ =	shalt  }
0x84: {  	_ =	shalt  }
0x85: {  	_ =	shalt  }
0x86: {  	_ =	shalt  }
0x87: {  	_ =	shalt  }
.Lfunc_end0:
.L_simem_size_0:
called_computation_lowered:
.L_overlay_start_0:
0x88: {  	s2 =	sld [smem:$0x3FD9]  }
0x89: {  	s3 =	sld [smem:$0x3FFE];
	_ =	sdelay $0x1  }
0x8a: {  	s1 =	srdreg.scid  }
0x8b: {  	s0 =	sand.u32 $0x1, s1  }
0x8c: {  	s16 =	sshll.u32 s0, $0xA;
	s2 =	sadd.s32 s3, s2  }
0x8d: {  	s2 =	sadd.s32 s2, s16  }
0x8e: {  	[smem:$0x3FC6] =	sst s2  }
0x8f: {  	_ = 	snop  }
0x90: {  	(tm) =	ssettm $0x1  }
0x91: {  	s17 =	sld [smem:$0x3FFB];
	_ =	sdelay $0x3  }
0x92: {  	_ =	strace s17  }
0x93: {  	s2 =	sld [smem:$0x3FFC];
	_ =	sdelay $0x3  }
0x94: {  	_ =	strace s2  }
0x95: {  	s2 =	sld [smem:$0x3FFD];
	_ =	sdelay $0x3  }
0x96: {  	_ =	strace s2  }
0x97: {  	_ =	strace $0x8FFFFFFF  }
0x98: {  	s18 =	sld [smem:$0x3FDB];
	_ =	sdelay $0x1  }
0x99: {  	s19 =	simm.s32 $_scs_section_size  }
0x9a: {  	s4 =	simm.s32 $_size__tile_overlayer_lowered;
	s5 =	simm.s32 $_tile_overlayer_lowered  }
0x9b: {  	s22 =	simm.s32 $0x1BFF;
	s21 =	sshll.u32 s5, $0x1;
	s2 =	sadd.s32 s19, s18  }
0x9c: {  	s6 =	simm.s32 $0x0;
	s20 =	sshll.u32 s4, $0x1;
	s4 =	sadd.s32 s21, s2  }
0x9d: {  	[timem:s6], [sflag:s22] =	dma.local [hbm:s4], s20  }
0x9e: {  	_ =	swait.ge [sflag:s22], s20  }
0x9f: {  	s3 =	ssub.s32 $0x0, s20;
	[sflag:s22] =	ssyncset.done $0x0  }
0xa0: {  	[sflag:s22] =	ssyncadd.s32 s3;
	_ =	sdelay $0x1  }
0xa1: {  	s23 =	simm.s32 $0x1B8B  }
0xa2: {  	_ =	swait.ge [sflag:s23], $0x1  }
0xa3: {  	[sflag:s23] =	ssyncset.done $0x0  }
0xa4: {  	s25 =	simm.s32 $0x1B8E;
	s24 =	sld [smem:$0x3FFE];
	[sflag:s23] =	ssyncadd.s32 $0xFFFFFFFF  }
0xa5: {  	s26 =	simm.s32 $execute0_lowered;
	[smem:$0x3FD2] =	sst s25  }
0xa6: {  	s4 =	sshll.u32 s26, $0x1;
	_ =	strace $0x80000046;
	[dreg:$0x1] =	wrdreg $0xFFFFFFFF  }
0xa7: {  	s28 =	simm.s32 $_size_execute0_lowered;
	s2 =	sadd.s32 s2, s4;
	[dreg:$0x0] =	wrdreg $0x0  }
0xa8: {  	s4 =	sshll.u32 s28, $0x1;
	[dreg:$0x2] =	wrdreg s2  }
0xa9: {  	[dreg:$0x3] =	wrdreg s4  }
0xaa: {  	[dreg:$0x4] =	wrdreg $0xC0  }
0xab: {  	_ =	task [dreg:s6], $0x5FFFF  }
0xac: {  	[dreg:$0x1] =	wrdreg $0xFFFFFFFF  }
0xad: {  	[dreg:$0x0] =	wrdreg $0x60  }
0xae: {  	[dreg:$0x2] =	wrdreg s24  }
0xaf: {  	[dreg:$0x3] =	wrdreg $0x0  }
0xb0: {  	[dreg:$0x4] =	wrdreg $0x9  }
0xb1: {  	_ =	task.clear_ibuf [dreg:s6], $0x5FFFF;
	_ =	strace $0x90000046  }
0xb2: {  	s29 =	simm.s32 $0x9;
	_ =	strace $0x80000048  }
0xb3: {  	_ =	swait.ge [sflag:s29], $0x1  }
0xb4: {  	[sflag:s29] =	ssyncadd.s32 $0xFFFFFFFF  }
0xb5: {  	_ =	strace $0x90000048  }
0xb6: {  	_ =	sfence  }
0xb7: {  	s30 =	sld [smem:$0x0];
	_ =	sdelay $0x2  }
0xb8: {  	s31 =	sshll.u32 s1, $0xD;
	s1 =	sshrl.u32 s1, $0x2  }
0xb9: {  	s3 =	sand.u32 $0x4000, s31;
	s1 =	sadd.s32 s1, s30  }
0xba: {  	s0 =	sor.u32 s3, s0;
	s1 =	sshll.u32 s1, $0x11  }
0xbb: {  	s0 =	sor.u32 s1, s0  }
0xbc: {  	s0 =	sadd.s32 $0x8F2B, s0  }
0xbd: {  	[sflag:s0] =	ssyncadd.remote.s32 $0x1  }
0xbe: {  	_ =	sfence.sel $0xFFFF  }
0xbf: {  	[dreg:$0x0] =	wrdreg $0xFFFFFFFF;
	(pc) =	sbr.abs _section_cstart, $3  }
0xc0: {  	[dreg:$0x1] =	wrdreg $0xFFFFFFFF  }
0xc1: {  	_ =	task.clear_ibuf [dreg:s6], $0x2FFFF;
	_ =	strace $0x9FFFFFFF  }
0xc2: {  	(tm) =	ssettm $0x7FFFFFFF  }
0xc3: {  	_ =	shalt  }
tec
execute0_lowered:
.L_overlay_start_1:
0x0: {  	(tag) =	ssettag $0x1  }
0x1: {  	s6 =	rddreg [dreg:$0x0]  }
0x2: {  	s1 =	rddreg [dreg:$0x1]  }
0x3: {  	s2 =	srdreg.scid;
	s0 =	rddreg [dreg:$0x2];
	s3 =	simm.s32 $0x0  }
0x4: {  	s12 =	simm.s32 $0x18800;
	s13 =	simm.s32 $0x18880;
	s14 =	simm.s32 $0x18900  }
0x5: {  	s15 =	simm.s32 $0x80;
	s16 =	simm.s32 $0x18980;
	s17 =	simm.s32 $0x19180  }
0x6: {  	v0 =	vimm.s32 $0xFEDC9BA6;
	s18 =	simm.s32 $0x19980;
	s7 =	sand.u32 $0x1, s2;
	s2 =	stileid.u32  }
0x7: {  	v1 =	vimm.s32 $0x87354021;
	[smem:$0x7FF] =	sst s3;
	s4 =	sadd.s32 $0x92E00, s6;
	s8 =	smul.u32 $0x188000, s7  }
0x8: {  	s5 =	sadd.s32 $0x400, s6;
	v0 =	vunpack.c.l.s4.s8 v0;
	v1 =	vunpack.c.l.s4.s8 v1;
	s9 =	smul.u32 $0x18800, s2;
	_ =	strace $0x80000047  }
0x9: {  	s10 =	ssub.s32 $0x2, s7;
	s11 =	smul.u32 $0x62000, s2;
	s7 =	sshll.u32 s7, $0x4  }
0xa: {  	s30 =	sshrl.u32 s10, $0x1;
	s7 =	sor.u32 s2, s7;
	v0 =	vunpack.c.0.s8.s32 v0;
	v1 =	vunpack.c.0.s8.s32 v1;
	s8 =	sadd.s32 s9, s8  }
0xb: {  	s10 =	ssub.s32 s10, s30;
	s31 =	sshrl.u32 s11, $0x2;
	s7 =	smul.u32 $0x187, s7  }
0xc: {  	s19 =	sadd.s32 s9, s1;
	s11 =	simm.s32 $0x1;
	s8 =	sshrl.u32 s8, $0x3;
	v1 =	vcombine.low v1, v0  }
0xd: {  	s9 =	smax.u32 s10, $0x1;
	s10 =	simm.s32 $0x1A180;
	s8 =	sadd.s32 s8, s6  }
0xe: {  	v0 =	vimm.f32 $0.0e+00;
	s19 =	sshrl.u32 s19, $0x3;
	s6 =	sadd.s32 s31, s1;
	s8 =	sadd.s32 $0xC3E00, s8;
	v1 =	vand.u32 $0xF, v1  }
.LBB2_1:
0xf: {  	s20 =	simm.s32 $0x0  }
.LBB2_2:
0x10: {  	p0 =	sne.s32 s20, $0x1FC0  }
.Ltmp0:
0x11: {  	_ = 	snop;
	(pc) =	sbr.rel @p0 .LBB2_2-.Ltmp0, $3  }
0x12: {  	_ =	sdelay $0x1  }
0x13: {  	s21 =	sshra.s32 s20, $0x2  }
0x14: {  	s20 =	sadd.s32 $0x40, s20;
	[tilespmem:s21+$0x1A180] =	vst v0  }
0x15: {  	s20 =	sadd.s32 $0x0, s6  }
0x16: {  	[spmem:s20] =	stream.linear.scatter [tilespmem:s10], [sflag:$0x1], $0x800, $0x38;
	[tilespmem:$0x1A980] =	vst v63  }
0x17: {  	s20 =	simm.s32 $0x2000;
	_ =	swait.ge [sflag:s11], $0x800  }
.LBB2_4:
0x18: {  	s21 =	sshra.s32 s20, $0x2;
	[sflag:s11] =	ssyncset.done $0x0;
	p0 =	sne.s32 s20, $0x60000  }
.Ltmp1:
0x19: {  	s21 =	sadd.s32 s21, s6;
	[sflag:s11] =	ssyncadd.s32 $0xFFFFF800;
	(pc) =	sbr.rel @p0 .LBB2_4-.Ltmp1, $3  }
0x1a: {  	[spmem:s21] =	stream.linear.scatter [tilespmem:s10], [sflag:$0x1], $0x800, $0x38;
	[tilespmem:$0x1A980] =	vst v63  }
0x1b: {  	s20 =	sadd.s32 $0x2000, s20;
	_ =	sdelay $0x1  }
0x1c: {  	_ =	swait.ge [sflag:s11], $0x800  }
0x1d: {  	[sflag:s11] =	ssyncset.done $0x0  }
0x1e: {  	[sflag:s11] =	ssyncadd.s32 $0xFFFFF800  }
0x1f: {  	s20 =	simm.s32 $0x0;
	s21 =	simm.s32 $0x0;
	[bflag:$0x0] =	sbarrier.arrive $0xFFFF  }
.LBB2_6:
0x20: {  	s22 =	sadd.s32 s7, s21  }
0x21: {  	s22 =	sshll.u32 s22, $0x4  }
0x22: {  	s23 =	sadd.s32 s5, s22  }
0x23: {  	[tilespmem:s12], [sflag:$0x1] =	stream.linear.gather [hbm4b:s23+s20], $0x80, $0x38;
	[tilespmem:$0x1A980] =	vst v63  }
0x24: {  	s22 =	sand.u32 $0x1FFFFFF0, s22;
	_ =	swait.ge [sflag:s11], $0x80  }
0x25: {  	s22 =	sadd.s32 s5, s22;
	[sflag:s11] =	ssyncset.done $0x0  }
0x26: {  	s31 =	sadd.s32 $0x30E00, s22;
	[sflag:s11] =	ssyncadd.s32 $0xFFFFFF80  }
0x27: {  	[tilespmem:s13], [sflag:$0x1] =	stream.linear.gather [hbm4b:s31+s20], $0x80, $0x38;
	[tilespmem:$0x1A980] =	vst v63  }
0x28: {  	_ =	swait.ge [sflag:s11], $0x80  }
0x29: {  	[sflag:s11] =	ssyncset.done $0x0  }
0x2a: {  	s22 =	sadd.s32 $0x61C00, s22;
	[sflag:s11] =	ssyncadd.s32 $0xFFFFFF80  }
0x2b: {  	[tilespmem:s14], [sflag:$0x1] =	stream.linear.gather [hbm4b:s22+s20], $0x80, $0x38;
	[tilespmem:$0x1A980] =	vst v63  }
0x2c: {  	_ =	swait.ge [sflag:s11], $0x80  }
0x2d: {  	[sflag:s11] =	ssyncset.done $0x0  }
0x2e: {  	[sflag:s11] =	ssyncadd.s32 $0xFFFFFF80  }
0x2f: {  	[tilespmem:s16], [sflag:$0x1] =	stream.indirect.gather [hbm4b:s4+s15], $0x10, s12, s15, $0xb8;
	[tilespmem:$0x1A980] =	vst v63  }
0x30: {  	_ =	swait.ge [sflag:s11], $0x800  }
0x31: {  	[sflag:s11] =	ssyncset.done $0x0  }
0x32: {  	[sflag:s11] =	ssyncadd.s32 $0xFFFFF800  }
0x33: {  	[tilespmem:s17], [sflag:$0x1] =	stream.indirect.gather [hbm4b:s4+s15], $0x10, s13, s15, $0xb8;
	[tilespmem:$0x1A980] =	vst v63  }
0x34: {  	_ =	swait.ge [sflag:s11], $0x800  }
0x35: {  	[sflag:s11] =	ssyncset.done $0x0  }
0x36: {  	[sflag:s11] =	ssyncadd.s32 $0xFFFFF800  }
0x37: {  	[tilespmem:s18], [sflag:$0x1] =	stream.indirect.gather [hbm4b:s4+s15], $0x10, s14, s15, $0xb8;
	[tilespmem:$0x1A980] =	vst v63  }
0x38: {  	_ =	swait.ge [sflag:s11], $0x800  }
0x39: {  	[sflag:s11] =	ssyncset.done $0x0  }
0x3a: {  	s22 =	simm.s32 $0x0;
	[sflag:s11] =	ssyncadd.s32 $0xFFFFF800  }
0x3b: {  	v4 =	vld [tilespmem:s22+$0x18980]  }
0x3c: {  	v3 =	vld [tilespmem:s22+$0x19180]  }
0x3d: {  	v5 =	vld [tilespmem:s22+$0x19980];
	_ =	sdelay $0x2  }
0x3e: {  	s23 =	simm.s32 $0x10  }
0x3f: {  	v2 =	vld [tilespmem:s23+$0x18980]  }
0x40: {  	v3 =	vsub.f32 v3, v4;
	v5 =	vsub.f32 v5, v4;
	v4 =	vld [tilespmem:s23+$0x19180]  }
0x41: {  	v6 =	vld [tilespmem:s23+$0x19980]  }
0x42: {  	s24 =	simm.s32 $0x80;
	v7 =	vperm.xlane v5, v1;
	v8 =	vperm.xlane v3, v1  }
.LBB2_7:
0x43: {  	p0 =	sne.s32 s24, $0x1FC0  }
.Ltmp2:
0x44: {  	s25 =	sshra.s32 s24, $0x2;
	v7 =	vmul.f32 v7, v3;
	v8 =	vmul.f32 v8, v5;
	v5 =	vmov v2;
	(pc) =	sbr.rel @p0 .LBB2_7-.Ltmp2, $4  }
0x45: {  	v2 =	vld [tilespmem:s25+$0x18980];
	v3 =	vsub.f32 v4, v5  }
0x46: {  	s24 =	sadd.s32 $0x40, s24;
	v4 =	vld [tilespmem:s25+$0x19180];
	v5 =	vsub.f32 v6, v5;
	v9 =	vsub.f32 v7, v8  }
0x47: {  	v6 =	vld [tilespmem:s25+$0x19980]  }
0x48: {  	v8 =	vperm.xlane v3, v1;
	v7 =	vperm.xlane v5, v1;
	[tilespmem:s22+$0x1A180] =	vst v9;
	s22 =	smov.u32 s23;
	s23 =	smov.u32 s25  }
0x49: {  	_ =	sdelay $0x2  }
0x4a: {  	v4 =	vsub.f32 v4, v2;
	v2 =	vsub.f32 v6, v2;
	_ =	sdelay $0x1  }
0x4b: {  	v9 =	vperm.xlane v4, v1;
	v6 =	vperm.xlane v2, v1  }
0x4c: {  	v3 =	vmul.f32 v7, v3;
	v5 =	vmul.f32 v8, v5  }
0x4d: {  	v2 =	vmul.f32 v9, v2;
	v4 =	vmul.f32 v6, v4  }
0x4e: {  	v3 =	vsub.f32 v3, v5  }
0x4f: {  	v2 =	vsub.f32 v4, v2  }
0x50: {  	[tilespmem:s22+$0x1A180] =	vst v3  }
0x51: {  	[tilespmem:s23+$0x1A180] =	vst v2  }
0x52: {  	[spmem:s1] =	stream.indirect.scatter.add.f32 [tilespmem:s10], [sflag:$0x1], $0x10, s12, s15, $0xb8;
	[tilespmem:$0x1A980] =	vst v63  }
0x53: {  	_ =	swait.ge [sflag:s11], $0x800  }
0x54: {  	[sflag:s11] =	ssyncset.done $0x0  }
0x55: {  	[sflag:s11] =	ssyncadd.s32 $0xFFFFF800  }
0x56: {  	[spmem:s1] =	stream.indirect.scatter.add.f32 [tilespmem:s10], [sflag:$0x1], $0x10, s13, s15, $0xb8;
	[tilespmem:$0x1A980] =	vst v63  }
0x57: {  	s21 =	sadd.s32 $0x1, s21;
	_ =	swait.ge [sflag:s11], $0x800  }
0x58: {  	p0 =	sne.s32 s21, $0x187;
	[sflag:s11] =	ssyncset.done $0x0  }
.Ltmp3:
0x59: {  	[sflag:s11] =	ssyncadd.s32 $0xFFFFF800;
	(pc) =	sbr.rel @p0 .LBB2_6-.Ltmp3, $4  }
0x5a: {  	[spmem:s1] =	stream.indirect.scatter.add.f32 [tilespmem:s10], [sflag:$0x1], $0x10, s14, s15, $0xb8;
	[tilespmem:$0x1A980] =	vst v63  }
0x5b: {  	_ =	swait.ge [sflag:s11], $0x800  }
0x5c: {  	[sflag:s11] =	ssyncset.done $0x0  }
0x5d: {  	[sflag:s11] =	ssyncadd.s32 $0xFFFFF800  }
0x5e: {  	s3 =	sadd.s32 $0x1, s3  }
0x5f: {  	s20 =	sshll.u32 s2, $0x6;
	p0 =	sne.s32 s3, s9  }
.Ltmp4:
0x60: {  	[bflag:$0x0] =	sbarrier.arrive $0xFFFF;
	s20 =	sor.u32 $0x1C01, s20;
	(pc) =	sbr.rel @p0 .LBB2_1-.Ltmp4, $4  }
0x61: {  	[hbm:s8], [sflag:s20] =	dma.local [spmem:s19], $0x3100  }
0x62: {  	_ =	swait.ge [sflag:s11], $0x3100  }
0x63: {  	[sflag:s11] =	ssyncset.done $0x0  }
0x64: {  	[sflag:s11] =	ssyncadd.s32 $0xFFFFCF00  }
0x65: {  	_ =	sfence.sel $0x180000  }
0x66: {  	[bflag:$0x0] =	sbarrier.arrive $0xFFFF  }
0x67: {  	p0 =	sne.s32 s2, $0x0;
	_ =	strace $0x90000047  }
0x68: {  	s0 =	sadd.s32 @!p0 $0x100000, s0;
	[bflag:$0x2] =	sbarrier.arrive $0xFFFF  }
0x69: {  	[sflag:s0] =	ssyncadd.tile.s32 @!p0 $0x1;
	_ =	shalt  }
.Lfunc_end2:
_tile_overlayer_lowered:
.L_overlay_start_2:
0x6a: {  	(tag) =	ssettag $0x2  }
0x6b: {  	s0 =	rddreg [dreg:$0x0];
	s2 =	stileid.u32  }
0x6c: {  	s1 =	rddreg [dreg:$0x1];
	p0 =	sne.s32 s2, $0x0  }
0x6d: {  	s3 =	rddreg [dreg:$0x2];
	[bflag:$0x3] =	sbarrier.arrive $0xFFFF;
	s2 =	simm.s32 @!p0 $0x1C01  }
0x6e: {  	[timem:s3], [sflag:s2] =	dma.local @!p0 [hbm:s0], s1  }
0x6f: {  	s0 =	simm.s32 @!p0 $0x1  }
0x70: {  	_ =	swait.ge @!p0 [sflag:s0], s1  }
0x71: {  	s1 =	ssub.s32 @!p0 $0x0, s1;
	[sflag:s0] =	ssyncset.done @!p0 $0x0  }
0x72: {  	[sflag:s0] =	ssyncadd.s32 @!p0 s1  }
0x73: {  	[bflag:$0x3] =	sbarrier.arrive $0xFFFF  }
0x74: {  	_ =	shalt  }

</sc_bundles>
